<compile_context>
chip_gen: v7x
topology: tpu7x:2x2x1
jax: 0.10.2.dev20260603
libtpu: 0.0.44.dev20260713+nightly
codegen_flags: <defaults>
</compile_context>

<pallas_src>
import functools

import jax
import jax.numpy as jnp
from jax import lax
from jax.experimental import pallas as pl
from jax.experimental.pallas import tpu as pltpu
from jax.experimental.pallas import tpu_sc as plsc

_TOP_K = 2
_T = 8192
_D = 2048
_TOT = _T * _TOP_K
_B = 2 * _TOT
_NC = 2
_NS = 16
_NW = _NC * _NS
_PER_W = _B // _NW
_R = 8
_NBUF = 4
_NT = _PER_W // _R


def _dispatch_body(x_hbm, i1_hbm, s2_hbm, out_hbm,
                   idx_v, s2_v, buf0, buf1, buf2, buf3,
                   gsem0, gsem1, gsem2, gsem3, osem0, osem1, osem2, osem3):
    bufs = (buf0, buf1, buf2, buf3)
    gsems = (gsem0, gsem1, gsem2, gsem3)
    osems = (osem0, osem1, osem2, osem3)
    cid = lax.axis_index("c")
    sid = lax.axis_index("s")
    wid = sid * _NC + cid
    base = wid * _PER_W

    @pl.when(wid < _NW // 2)
    def _bottom():
        pltpu.sync_copy(s2_hbm.at[pl.ds(base, _PER_W)], s2_v)
        pltpu.async_copy(i1_hbm.at[s2_v], idx_v, gsem0).wait()

    @pl.when(wid >= _NW // 2)
    def _top():
        pltpu.sync_copy(i1_hbm.at[pl.ds(base - _TOT, _PER_W)], idx_v)

    @pl.loop(0, _PER_W // 16)
    def _shift(j):
        sl = pl.ds(j * 16, 16)
        idx_v[sl] = idx_v[sl] >> 1

    for b in range(_NBUF):
        pltpu.async_copy(x_hbm.at[idx_v.at[pl.ds(b * _R, _R)]], bufs[b],
                         gsems[b])

    @pl.loop(0, _NT, step=_NBUF)
    def _tile(t0):
        for b in range(_NBUF):
            t = t0 + b
            pltpu.make_async_copy(
                x_hbm.at[idx_v.at[pl.ds(0, _R)]], bufs[b], gsems[b]).wait()
            pltpu.async_copy(bufs[b], out_hbm.at[pl.ds(base + t * _R, _R)],
                             osems[b])
            nxt = t + _NBUF

            @pl.when(nxt < _NT)
            def _prefetch():
                pltpu.make_async_copy(
                    bufs[b], out_hbm.at[pl.ds(base, _R)], osems[b]).wait()
                pltpu.async_copy(
                    x_hbm.at[idx_v.at[pl.ds(nxt * _R, _R)]], bufs[b],
                    gsems[b])

    for b in range(_NBUF):
        pltpu.make_async_copy(
            bufs[b], out_hbm.at[pl.ds(base, _R)], osems[b]).wait()


@functools.partial(jax.jit, static_argnames=())
def _dispatch(x, indices_s1, s1exp_to_s2_indices):
    mesh = plsc.VectorSubcoreMesh(core_axis_name="c", subcore_axis_name="s")
    f = pl.kernel(
        _dispatch_body,
        out_type=jax.ShapeDtypeStruct((_B, _D), jnp.float32),
        mesh=mesh,
        scratch_types=[
            pltpu.VMEM((_PER_W,), jnp.int32),
            pltpu.VMEM((_PER_W,), jnp.int32),
            pltpu.VMEM((_R, _D), jnp.float32),
            pltpu.VMEM((_R, _D), jnp.float32),
            pltpu.VMEM((_R, _D), jnp.float32),
            pltpu.VMEM((_R, _D), jnp.float32),
        ] + [pltpu.SemaphoreType.DMA] * 8,
    )
    return f(x, indices_s1, s1exp_to_s2_indices)


def kernel(x, n_tokens, indices_s1, bin_ids_s1, bins_s1, ins_s1, outs_s1,
           ins_s2_virtual, outs_s2_virtual, s1exp_to_s2_indices, bin_ids_s2,
           bins_s2, ins_s2, outs_s2, tokens_per_expert_s1_exp,
           tokens_per_experts_s2_exp):
    return _dispatch(x, indices_s1, s1exp_to_s2_indices)

# --- scband reference (transcript-rebuilt; emitter-appended) ---
"""Pipeline reference for scband-rbdispatcher-33535104647679 (READ-ONLY COPY).

The authoritative reference and input builder live on the scoring server;
editing this copy changes nothing except your own understanding.
"""

import jax, jax.numpy as jnp
import numpy as np

TOP_K = 2
NUM_EXPERTS = 64
NUM_LOCAL_EXPERTS = 8
T = 8192
D = 2048
TOT = T * TOP_K


def setup_inputs(seed: int = 0) -> dict:
    key = jax.random.key(seed)
    k1, k2, k3, k4 = jax.random.split(key, 4)
    x = jax.random.normal(k1, (T, D), dtype=jnp.float32)
    # flattened top-k assignment indices (sorted-by-expert ordering in real impl)
    indices_s1 = jax.random.randint(k2, (TOT,), 0, TOT, dtype=jnp.int32)
    bin_ids_s1 = jnp.sort(jax.random.randint(k3, (TOT,), 0, NUM_EXPERTS, dtype=jnp.int32))
    bins_s1 = jnp.cumsum(jnp.bincount(bin_ids_s1, length=NUM_EXPERTS)).astype(jnp.int32)
    # single-rank all-to-all split sizes: everything stays local
    ins_s1 = jnp.array([TOT], dtype=jnp.int32)
    outs_s1 = jnp.array([TOT], dtype=jnp.int32)
    ins_s2_virtual = jnp.array([TOT], dtype=jnp.int32)
    outs_s2_virtual = jnp.array([TOT], dtype=jnp.int32)
    s1exp_to_s2_indices = jax.random.randint(k4, (TOT,), 0, TOT, dtype=jnp.int32)
    bin_ids_s2 = jnp.sort(jax.random.randint(jax.random.fold_in(key, 7), (TOT,), 0, NUM_LOCAL_EXPERTS, dtype=jnp.int32))
    bins_s2 = jnp.cumsum(jnp.bincount(bin_ids_s2, length=NUM_LOCAL_EXPERTS)).astype(jnp.int32)
    ins_s2 = jnp.array([TOT], dtype=jnp.int32)
    outs_s2 = jnp.array([TOT], dtype=jnp.int32)
    tokens_per_expert_s1_exp = jnp.bincount(bin_ids_s1, length=NUM_EXPERTS).astype(jnp.int32)
    tokens_per_experts_s2_exp = jnp.bincount(bin_ids_s2, length=NUM_LOCAL_EXPERTS).astype(jnp.int32)
    return {
        "x": x,
        "n_tokens": T,
        "indices_s1": indices_s1,
        "bin_ids_s1": bin_ids_s1,
        "bins_s1": bins_s1,
        "ins_s1": ins_s1,
        "outs_s1": outs_s1,
        "ins_s2_virtual": ins_s2_virtual,
        "outs_s2_virtual": outs_s2_virtual,
        "s1exp_to_s2_indices": s1exp_to_s2_indices,
        "bin_ids_s2": bin_ids_s2,
        "bins_s2": bins_s2,
        "ins_s2": ins_s2,
        "outs_s2": outs_s2,
        "tokens_per_expert_s1_exp": tokens_per_expert_s1_exp,
        "tokens_per_experts_s2_exp": tokens_per_experts_s2_exp,
    }


def gather_with_token_drop(x, indices, bin_ids, bins, n_tokens, top_k):
    # megablocks-style gather: row for assignment i comes from token indices[i] // top_k
    return jnp.take(x, indices // top_k, axis=0)


def all_to_all_single(x, ins, outs):
    # single-rank simulation: all splits stay local -> identity
    return x


def s1_to_s2_gather(dx_s1_exp, s1exp_to_s2_indices, bin_ids_s2, bins_s2):
    return jnp.take(dx_s1_exp, s1exp_to_s2_indices, axis=0)


def reference(x, n_tokens, indices_s1, bin_ids_s1, bins_s1, ins_s1, outs_s1,
              ins_s2_virtual, outs_s2_virtual, s1exp_to_s2_indices, bin_ids_s2,
              bins_s2, ins_s2, outs_s2, tokens_per_expert_s1_exp,
              tokens_per_experts_s2_exp):
    dx_s1 = gather_with_token_drop(x, indices_s1, bin_ids_s1, bins_s1, n_tokens, TOP_K)
    dx_s1_exp = all_to_all_single(dx_s1, ins_s1, outs_s1)  # global ep a2a
    dx_s2 = s1_to_s2_gather(dx_s1_exp, s1exp_to_s2_indices, bin_ids_s2, bins_s2)
    dx_s2_exp = all_to_all_single(dx_s2, ins_s2, outs_s2)  # local a2a
    dx_exp_ = jnp.concatenate([dx_s2_exp, dx_s1_exp], axis=0)
    return dx_exp_

if __name__ == "__main__":
    import jax
    _d = setup_inputs()
    print(jax.jit(kernel)(*tuple(_d.values())))

</pallas_src>

<mosaic_0001>
#map = affine_map<(d0, d1) -> (0, 0)>
#map1 = affine_map<(d0, d1) -> (0)>
module attributes {stable_mosaic.version = 14 : i64} {
  func.func @_dispatch_body(%arg0: i32, %arg1: i32, %arg2: memref<8192x2048xf32, #tpu.memory_space<hbm>>, %arg3: memref<16384xi32, #tpu.memory_space<hbm>>, %arg4: memref<16384xi32, #tpu.memory_space<hbm>>, %arg5: memref<32768x2048xf32, #tpu.memory_space<hbm>>, %arg6: memref<1024xi32, #tpu.memory_space<vmem>>, %arg7: memref<1024xi32, #tpu.memory_space<vmem>>, %arg8: memref<8x2048xf32, #tpu.memory_space<vmem>>, %arg9: memref<8x2048xf32, #tpu.memory_space<vmem>>, %arg10: memref<8x2048xf32, #tpu.memory_space<vmem>>, %arg11: memref<8x2048xf32, #tpu.memory_space<vmem>>, %arg12: memref<!tpu.dma_semaphore, #tpu.memory_space<semaphore_mem>>, %arg13: memref<!tpu.dma_semaphore, #tpu.memory_space<semaphore_mem>>, %arg14: memref<!tpu.dma_semaphore, #tpu.memory_space<semaphore_mem>>, %arg15: memref<!tpu.dma_semaphore, #tpu.memory_space<semaphore_mem>>, %arg16: memref<!tpu.dma_semaphore, #tpu.memory_space<semaphore_mem>>, %arg17: memref<!tpu.dma_semaphore, #tpu.memory_space<semaphore_mem>>, %arg18: memref<!tpu.dma_semaphore, #tpu.memory_space<semaphore_mem>>, %arg19: memref<!tpu.dma_semaphore, #tpu.memory_space<semaphore_mem>>) attributes {dimension_semantics = [#tpu.dimension_semantics<core_parallel>, #tpu.dimension_semantics<subcore_parallel>], iteration_bounds = array<i64: 2, 16>, scalar_prefetch = 0 : i64, scratch_operands = 14 : i64, tpu.core_type = #tpu.core_type<sc_vector_subcore>, window_params = [{transform_indices = #map}, {transform_indices = #map1}, {transform_indices = #map1}, {transform_indices = #map}]} {
    %mul3A = arith.constant 2 : i32
    %mul3A_0 = arith.muli %arg1, %mul3A : i32
    %add3A = arith.addi %mul3A_0, %arg0 : i32
    %mul3A_1 = arith.constant 1024 : i32
    %mul3A_2 = arith.muli %add3A, %mul3A_1 : i32
    %lt3A = arith.constant 16 : i32
    %lt3A_3 = arith.cmpi slt, %add3A, %lt3A : i32
    %convert_element_type3A = arith.extui %lt3A_3 : i1 to i32
    %cond3A = arith.constant 0 : i32
    %cond3A_4 = arith.cmpi ne, %convert_element_type3A, %cond3A : i32
    scf.if %cond3A_4 {
      "tpu.region"() ({
        %run_scoped3A = tpu.sem_alloc : memref<!tpu.dma_semaphore, #tpu.memory_space<semaphore_mem>>
        %dma_start3A_56 = tpu.memref_slice %arg4[%mul3A_2] : memref<16384xi32, #tpu.memory_space<hbm>> -> memref<1024xi32, #tpu.memory_space<hbm>>
        %dma_start3A_57 = tpu.memref_slice %arg4[%mul3A_2] : memref<16384xi32, #tpu.memory_space<hbm>> -> memref<1024xi32, #tpu.memory_space<hbm>>
        tpu.enqueue_dma source(%dma_start3A_57 : memref<1024xi32, #tpu.memory_space<hbm>>) target(%arg7 : memref<1024xi32, #tpu.memory_space<vmem>>) target_semaphore(%run_scoped3A : memref<!tpu.dma_semaphore, #tpu.memory_space<semaphore_mem>>)
        %dma_wait3A_58 = tpu.memref_slice %arg4[%mul3A_2] : memref<16384xi32, #tpu.memory_space<hbm>> -> memref<1024xi32, #tpu.memory_space<hbm>>
        %dma_wait3A_59 = tpu.memref_slice %arg4[%mul3A_2] : memref<16384xi32, #tpu.memory_space<hbm>> -> memref<1024xi32, #tpu.memory_space<hbm>>
        tpu.wait_dma2 semaphore(%run_scoped3A : memref<!tpu.dma_semaphore, #tpu.memory_space<semaphore_mem>>) src(%dma_wait3A_59 : memref<1024xi32, #tpu.memory_space<hbm>>) dst(%arg7 : memref<1024xi32, #tpu.memory_space<vmem>>)
        tpu.yield
      }) : () -> ()
      %dma_start3A_52 = arith.constant 0 : i32
      %dma_start3A_53 = tpu.memref_slice %arg3[%dma_start3A_52] : memref<16384xi32, #tpu.memory_space<hbm>> -> memref<16384xi32, #tpu.memory_space<hbm>>
      tpu.enqueue_indirect_dma source(%dma_start3A_53 : memref<16384xi32, #tpu.memory_space<hbm>>) target(%arg6 : memref<1024xi32, #tpu.memory_space<vmem>>) offsets(%arg7 : memref<1024xi32, #tpu.memory_space<vmem>>) semaphore(%arg12 : memref<!tpu.dma_semaphore, #tpu.memory_space<semaphore_mem>>)
      %dma_wait3A_54 = arith.constant 0 : i32
      %dma_wait3A_55 = tpu.memref_slice %arg3[%dma_wait3A_54] : memref<16384xi32, #tpu.memory_space<hbm>> -> memref<16384xi32, #tpu.memory_space<hbm>>
      tpu.wait_indirect_dma semaphore(%arg12 : memref<!tpu.dma_semaphore, #tpu.memory_space<semaphore_mem>>) src(%dma_wait3A_55 : memref<16384xi32, #tpu.memory_space<hbm>>) dst(%arg6 : memref<1024xi32, #tpu.memory_space<vmem>>)
    } else {
    }
    %ge3A = arith.constant 16 : i32
    %ge3A_5 = arith.cmpi sge, %add3A, %ge3A : i32
    %convert_element_type3A_6 = arith.extui %ge3A_5 : i1 to i32
    %cond3A_7 = arith.constant 0 : i32
    %cond3A_8 = arith.cmpi ne, %convert_element_type3A_6, %cond3A_7 : i32
    scf.if %cond3A_8 {
      %sub3A = arith.constant 16384 : i32
      %sub3A_52 = arith.subi %mul3A_2, %sub3A : i32
      "tpu.region"() ({
        %run_scoped3A = tpu.sem_alloc : memref<!tpu.dma_semaphore, #tpu.memory_space<semaphore_mem>>
        %dma_start3A_53 = tpu.memref_slice %arg3[%sub3A_52] : memref<16384xi32, #tpu.memory_space<hbm>> -> memref<1024xi32, #tpu.memory_space<hbm>>
        %dma_start3A_54 = tpu.memref_slice %arg3[%sub3A_52] : memref<16384xi32, #tpu.memory_space<hbm>> -> memref<1024xi32, #tpu.memory_space<hbm>>
        tpu.enqueue_dma source(%dma_start3A_54 : memref<1024xi32, #tpu.memory_space<hbm>>) target(%arg6 : memref<1024xi32, #tpu.memory_space<vmem>>) target_semaphore(%run_scoped3A : memref<!tpu.dma_semaphore, #tpu.memory_space<semaphore_mem>>)
        %dma_wait3A_55 = tpu.memref_slice %arg3[%sub3A_52] : memref<16384xi32, #tpu.memory_space<hbm>> -> memref<1024xi32, #tpu.memory_space<hbm>>
        %dma_wait3A_56 = tpu.memref_slice %arg3[%sub3A_52] : memref<16384xi32, #tpu.memory_space<hbm>> -> memref<1024xi32, #tpu.memory_space<hbm>>
        tpu.wait_dma2 semaphore(%run_scoped3A : memref<!tpu.dma_semaphore, #tpu.memory_space<semaphore_mem>>) src(%dma_wait3A_56 : memref<1024xi32, #tpu.memory_space<hbm>>) dst(%arg6 : memref<1024xi32, #tpu.memory_space<vmem>>)
        tpu.yield
      }) : () -> ()
    } else {
    }
    %scan3A = arith.constant 0 : i32
    %scan3A_9 = arith.constant 64 : i32
    %scan3A_10 = arith.addi %scan3A, %scan3A_9 : i32
    %scan3A_11 = arith.constant 1 : i32
    scf.for %scan3A_52 = %scan3A to %scan3A_10 step %scan3A_11  : i32 {
      %mul3A_53 = arith.constant 1 : i32
      %mul3A_54 = arith.muli %scan3A_52, %mul3A_53 : i32
      %add3A_55 = arith.constant 0 : i32
      %add3A_56 = arith.addi %add3A_55, %mul3A_54 : i32
      %mul3A_57 = arith.constant 16 : i32
      %mul3A_58 = arith.muli %add3A_56, %mul3A_57 : i32
      %get3A = arith.index_cast %mul3A_58 : i32 to index
      %get3A_59 = tpu.vector_load %arg6[%get3A] {strides = array<i32>} : memref<1024xi32, #tpu.memory_space<vmem>>, vector<16xi32>,
      %get3A_60 = vector.shape_cast %get3A_59 : vector<16xi32> to vector<16xi32>
      %shift_right_arithmetic3A = arith.constant 1 : i32
      %shift_right_arithmetic3A_61 = vector.broadcast %shift_right_arithmetic3A : i32 to vector<16xi32>
      %shift_right_arithmetic3A_62 = arith.shrsi %get3A_60, %shift_right_arithmetic3A_61 : vector<16xi32>
      %swap3A = arith.index_cast %mul3A_58 : i32 to index
      %swap3A_63 = tpu.vector_load %arg6[%swap3A] {strides = array<i32>} : memref<1024xi32, #tpu.memory_space<vmem>>, vector<16xi32>,
      %swap3A_64 = vector.shape_cast %swap3A_63 : vector<16xi32> to vector<16xi32>
      %swap3A_65 = vector.shape_cast %shift_right_arithmetic3A_62 : vector<16xi32> to vector<16xi32>
      tpu.vector_store %arg6[%swap3A], %swap3A_65 {strides = array<i32>} : memref<1024xi32, #tpu.memory_space<vmem>>, vector<16xi32>,
    }
    %scan3A_12 = arith.constant 64 : i32
    %dma_start3A = arith.constant 0 : i32
    %dma_start3A_13 = tpu.memref_slice %arg6[%dma_start3A] : memref<1024xi32, #tpu.memory_space<vmem>> -> memref<8xi32, #tpu.memory_space<vmem>>
    %dma_start3A_14 = arith.constant 0 : i32
    %dma_start3A_15 = arith.constant 0 : i32
    %dma_start3A_16 = tpu.memref_slice %arg2[%dma_start3A_14, %dma_start3A_15] : memref<8192x2048xf32, #tpu.memory_space<hbm>> -> memref<8192x2048xf32, #tpu.memory_space<hbm>>
    tpu.enqueue_indirect_dma source(%dma_start3A_16 : memref<8192x2048xf32, #tpu.memory_space<hbm>>) target(%arg8 : memref<8x2048xf32, #tpu.memory_space<vmem>>) offsets(%dma_start3A_13 : memref<8xi32, #tpu.memory_space<vmem>>) semaphore(%arg12 : memref<!tpu.dma_semaphore, #tpu.memory_space<semaphore_mem>>)
    %dma_start3A_17 = arith.constant 8 : i32
    %dma_start3A_18 = tpu.memref_slice %arg6[%dma_start3A_17] : memref<1024xi32, #tpu.memory_space<vmem>> -> memref<8xi32, #tpu.memory_space<vmem>>
    %dma_start3A_19 = arith.constant 0 : i32
    %dma_start3A_20 = arith.constant 0 : i32
    %dma_start3A_21 = tpu.memref_slice %arg2[%dma_start3A_19, %dma_start3A_20] : memref<8192x2048xf32, #tpu.memory_space<hbm>> -> memref<8192x2048xf32, #tpu.memory_space<hbm>>
    tpu.enqueue_indirect_dma source(%dma_start3A_21 : memref<8192x2048xf32, #tpu.memory_space<hbm>>) target(%arg9 : memref<8x2048xf32, #tpu.memory_space<vmem>>) offsets(%dma_start3A_18 : memref<8xi32, #tpu.memory_space<vmem>>) semaphore(%arg13 : memref<!tpu.dma_semaphore, #tpu.memory_space<semaphore_mem>>)
    %dma_start3A_22 = arith.constant 16 : i32
    %dma_start3A_23 = tpu.memref_slice %arg6[%dma_start3A_22] : memref<1024xi32, #tpu.memory_space<vmem>> -> memref<8xi32, #tpu.memory_space<vmem>>
    %dma_start3A_24 = arith.constant 0 : i32
    %dma_start3A_25 = arith.constant 0 : i32
    %dma_start3A_26 = tpu.memref_slice %arg2[%dma_start3A_24, %dma_start3A_25] : memref<8192x2048xf32, #tpu.memory_space<hbm>> -> memref<8192x2048xf32, #tpu.memory_space<hbm>>
    tpu.enqueue_indirect_dma source(%dma_start3A_26 : memref<8192x2048xf32, #tpu.memory_space<hbm>>) target(%arg10 : memref<8x2048xf32, #tpu.memory_space<vmem>>) offsets(%dma_start3A_23 : memref<8xi32, #tpu.memory_space<vmem>>) semaphore(%arg14 : memref<!tpu.dma_semaphore, #tpu.memory_space<semaphore_mem>>)
    %dma_start3A_27 = arith.constant 24 : i32
    %dma_start3A_28 = tpu.memref_slice %arg6[%dma_start3A_27] : memref<1024xi32, #tpu.memory_space<vmem>> -> memref<8xi32, #tpu.memory_space<vmem>>
    %dma_start3A_29 = arith.constant 0 : i32
    %dma_start3A_30 = arith.constant 0 : i32
    %dma_start3A_31 = tpu.memref_slice %arg2[%dma_start3A_29, %dma_start3A_30] : memref<8192x2048xf32, #tpu.memory_space<hbm>> -> memref<8192x2048xf32, #tpu.memory_space<hbm>>
    tpu.enqueue_indirect_dma source(%dma_start3A_31 : memref<8192x2048xf32, #tpu.memory_space<hbm>>) target(%arg11 : memref<8x2048xf32, #tpu.memory_space<vmem>>) offsets(%dma_start3A_28 : memref<8xi32, #tpu.memory_space<vmem>>) semaphore(%arg15 : memref<!tpu.dma_semaphore, #tpu.memory_space<semaphore_mem>>)
    %scan3A_32 = arith.constant 0 : i32
    %scan3A_33 = arith.constant 32 : i32
    %scan3A_34 = arith.addi %scan3A_32, %scan3A_33 : i32
    %scan3A_35 = arith.constant 1 : i32
    scf.for %scan3A_52 = %scan3A_32 to %scan3A_34 step %scan3A_35  : i32 {
      %mul3A_53 = arith.constant 4 : i32
      %mul3A_54 = arith.muli %scan3A_52, %mul3A_53 : i32
      %add3A_55 = arith.constant 0 : i32
      %add3A_56 = arith.addi %add3A_55, %mul3A_54 : i32
      %add3A_57 = arith.constant 0 : i32
      %add3A_58 = arith.addi %add3A_56, %add3A_57 : i32
      %dma_wait3A_59 = arith.constant 0 : i32
      %dma_wait3A_60 = tpu.memref_slice %arg6[%dma_wait3A_59] : memref<1024xi32, #tpu.memory_space<vmem>> -> memref<8xi32, #tpu.memory_space<vmem>>
      %dma_wait3A_61 = arith.constant 0 : i32
      %dma_wait3A_62 = arith.constant 0 : i32
      %dma_wait3A_63 = tpu.memref_slice %arg2[%dma_wait3A_61, %dma_wait3A_62] : memref<8192x2048xf32, #tpu.memory_space<hbm>> -> memref<8192x2048xf32, #tpu.memory_space<hbm>>
      tpu.wait_indirect_dma semaphore(%arg12 : memref<!tpu.dma_semaphore, #tpu.memory_space<semaphore_mem>>) src(%dma_wait3A_63 : memref<8192x2048xf32, #tpu.memory_space<hbm>>) dst(%arg8 : memref<8x2048xf32, #tpu.memory_space<vmem>>)
      %mul3A_64 = arith.constant 8 : i32
      %mul3A_65 = arith.muli %add3A_58, %mul3A_64 : i32
      %add3A_66 = arith.addi %mul3A_2, %mul3A_65 : i32
      %dma_start3A_67 = arith.constant 0 : i32
      %dma_start3A_68 = tpu.memref_slice %arg5[%add3A_66, %dma_start3A_67] : memref<32768x2048xf32, #tpu.memory_space<hbm>> -> memref<8x2048xf32, #tpu.memory_space<hbm>>
      %dma_start3A_69 = arith.constant 0 : i32
      %dma_start3A_70 = tpu.memref_slice %arg5[%add3A_66, %dma_start3A_69] : memref<32768x2048xf32, #tpu.memory_space<hbm>> -> memref<8x2048xf32, #tpu.memory_space<hbm>>
      tpu.enqueue_dma source(%arg8 : memref<8x2048xf32, #tpu.memory_space<vmem>>) target(%dma_start3A_70 : memref<8x2048xf32, #tpu.memory_space<hbm>>) target_semaphore(%arg16 : memref<!tpu.dma_semaphore, #tpu.memory_space<semaphore_mem>>)
      %add3A_71 = arith.constant 4 : i32
      %add3A_72 = arith.addi %add3A_58, %add3A_71 : i32
      %lt3A_73 = arith.constant 128 : i32
      %lt3A_74 = arith.cmpi slt, %add3A_72, %lt3A_73 : i32
      %convert_element_type3A_75 = arith.extui %lt3A_74 : i1 to i32
      %cond3A_76 = arith.constant 0 : i32
      %cond3A_77 = arith.cmpi ne, %convert_element_type3A_75, %cond3A_76 : i32
      scf.if %cond3A_77 {
        %dma_wait3A_141 = arith.constant 0 : i32
        %dma_wait3A_142 = tpu.memref_slice %arg5[%mul3A_2, %dma_wait3A_141] : memref<32768x2048xf32, #tpu.memory_space<hbm>> -> memref<8x2048xf32, #tpu.memory_space<hbm>>
        %dma_wait3A_143 = arith.constant 0 : i32
        %dma_wait3A_144 = tpu.memref_slice %arg5[%mul3A_2, %dma_wait3A_143] : memref<32768x2048xf32, #tpu.memory_space<hbm>> -> memref<8x2048xf32, #tpu.memory_space<hbm>>
        tpu.wait_dma2 semaphore(%arg16 : memref<!tpu.dma_semaphore, #tpu.memory_space<semaphore_mem>>) src(%arg8 : memref<8x2048xf32, #tpu.memory_space<vmem>>) dst(%dma_wait3A_144 : memref<8x2048xf32, #tpu.memory_space<hbm>>)
        %mul3A_145 = arith.constant 8 : i32
        %mul3A_146 = arith.muli %add3A_72, %mul3A_145 : i32
        %dma_start3A_147 = tpu.memref_slice %arg6[%mul3A_146] : memref<1024xi32, #tpu.memory_space<vmem>> -> memref<8xi32, #tpu.memory_space<vmem>>
        %dma_start3A_148 = arith.constant 0 : i32
        %dma_start3A_149 = arith.constant 0 : i32
        %dma_start3A_150 = tpu.memref_slice %arg2[%dma_start3A_148, %dma_start3A_149] : memref<8192x2048xf32, #tpu.memory_space<hbm>> -> memref<8192x2048xf32, #tpu.memory_space<hbm>>
        tpu.enqueue_indirect_dma source(%dma_start3A_150 : memref<8192x2048xf32, #tpu.memory_space<hbm>>) target(%arg8 : memref<8x2048xf32, #tpu.memory_space<vmem>>) offsets(%dma_start3A_147 : memref<8xi32, #tpu.memory_space<vmem>>) semaphore(%arg12 : memref<!tpu.dma_semaphore, #tpu.memory_space<semaphore_mem>>)
      } else {
      }
      %add3A_78 = arith.constant 1 : i32
      %add3A_79 = arith.addi %add3A_56, %add3A_78 : i32
      %dma_wait3A_80 = arith.constant 0 : i32
      %dma_wait3A_81 = tpu.memref_slice %arg6[%dma_wait3A_80] : memref<1024xi32, #tpu.memory_space<vmem>> -> memref<8xi32, #tpu.memory_space<vmem>>
      %dma_wait3A_82 = arith.constant 0 : i32
      %dma_wait3A_83 = arith.constant 0 : i32
      %dma_wait3A_84 = tpu.memref_slice %arg2[%dma_wait3A_82, %dma_wait3A_83] : memref<8192x2048xf32, #tpu.memory_space<hbm>> -> memref<8192x2048xf32, #tpu.memory_space<hbm>>
      tpu.wait_indirect_dma semaphore(%arg13 : memref<!tpu.dma_semaphore, #tpu.memory_space<semaphore_mem>>) src(%dma_wait3A_84 : memref<8192x2048xf32, #tpu.memory_space<hbm>>) dst(%arg9 : memref<8x2048xf32, #tpu.memory_space<vmem>>)
      %mul3A_85 = arith.constant 8 : i32
      %mul3A_86 = arith.muli %add3A_79, %mul3A_85 : i32
      %add3A_87 = arith.addi %mul3A_2, %mul3A_86 : i32
      %dma_start3A_88 = arith.constant 0 : i32
      %dma_start3A_89 = tpu.memref_slice %arg5[%add3A_87, %dma_start3A_88] : memref<32768x2048xf32, #tpu.memory_space<hbm>> -> memref<8x2048xf32, #tpu.memory_space<hbm>>
      %dma_start3A_90 = arith.constant 0 : i32
      %dma_start3A_91 = tpu.memref_slice %arg5[%add3A_87, %dma_start3A_90] : memref<32768x2048xf32, #tpu.memory_space<hbm>> -> memref<8x2048xf32, #tpu.memory_space<hbm>>
      tpu.enqueue_dma source(%arg9 : memref<8x2048xf32, #tpu.memory_space<vmem>>) target(%dma_start3A_91 : memref<8x2048xf32, #tpu.memory_space<hbm>>) target_semaphore(%arg17 : memref<!tpu.dma_semaphore, #tpu.memory_space<semaphore_mem>>)
      %add3A_92 = arith.constant 4 : i32
      %add3A_93 = arith.addi %add3A_79, %add3A_92 : i32
      %lt3A_94 = arith.constant 128 : i32
      %lt3A_95 = arith.cmpi slt, %add3A_93, %lt3A_94 : i32
      %convert_element_type3A_96 = arith.extui %lt3A_95 : i1 to i32
      %cond3A_97 = arith.constant 0 : i32
      %cond3A_98 = arith.cmpi ne, %convert_element_type3A_96, %cond3A_97 : i32
      scf.if %cond3A_98 {
        %dma_wait3A_141 = arith.constant 0 : i32
        %dma_wait3A_142 = tpu.memref_slice %arg5[%mul3A_2, %dma_wait3A_141] : memref<32768x2048xf32, #tpu.memory_space<hbm>> -> memref<8x2048xf32, #tpu.memory_space<hbm>>
        %dma_wait3A_143 = arith.constant 0 : i32
        %dma_wait3A_144 = tpu.memref_slice %arg5[%mul3A_2, %dma_wait3A_143] : memref<32768x2048xf32, #tpu.memory_space<hbm>> -> memref<8x2048xf32, #tpu.memory_space<hbm>>
        tpu.wait_dma2 semaphore(%arg17 : memref<!tpu.dma_semaphore, #tpu.memory_space<semaphore_mem>>) src(%arg9 : memref<8x2048xf32, #tpu.memory_space<vmem>>) dst(%dma_wait3A_144 : memref<8x2048xf32, #tpu.memory_space<hbm>>)
        %mul3A_145 = arith.constant 8 : i32
        %mul3A_146 = arith.muli %add3A_93, %mul3A_145 : i32
        %dma_start3A_147 = tpu.memref_slice %arg6[%mul3A_146] : memref<1024xi32, #tpu.memory_space<vmem>> -> memref<8xi32, #tpu.memory_space<vmem>>
        %dma_start3A_148 = arith.constant 0 : i32
        %dma_start3A_149 = arith.constant 0 : i32
        %dma_start3A_150 = tpu.memref_slice %arg2[%dma_start3A_148, %dma_start3A_149] : memref<8192x2048xf32, #tpu.memory_space<hbm>> -> memref<8192x2048xf32, #tpu.memory_space<hbm>>
        tpu.enqueue_indirect_dma source(%dma_start3A_150 : memref<8192x2048xf32, #tpu.memory_space<hbm>>) target(%arg9 : memref<8x2048xf32, #tpu.memory_space<vmem>>) offsets(%dma_start3A_147 : memref<8xi32, #tpu.memory_space<vmem>>) semaphore(%arg13 : memref<!tpu.dma_semaphore, #tpu.memory_space<semaphore_mem>>)
      } else {
      }
      %add3A_99 = arith.constant 2 : i32
      %add3A_100 = arith.addi %add3A_56, %add3A_99 : i32
      %dma_wait3A_101 = arith.constant 0 : i32
      %dma_wait3A_102 = tpu.memref_slice %arg6[%dma_wait3A_101] : memref<1024xi32, #tpu.memory_space<vmem>> -> memref<8xi32, #tpu.memory_space<vmem>>
      %dma_wait3A_103 = arith.constant 0 : i32
      %dma_wait3A_104 = arith.constant 0 : i32
      %dma_wait3A_105 = tpu.memref_slice %arg2[%dma_wait3A_103, %dma_wait3A_104] : memref<8192x2048xf32, #tpu.memory_space<hbm>> -> memref<8192x2048xf32, #tpu.memory_space<hbm>>
      tpu.wait_indirect_dma semaphore(%arg14 : memref<!tpu.dma_semaphore, #tpu.memory_space<semaphore_mem>>) src(%dma_wait3A_105 : memref<8192x2048xf32, #tpu.memory_space<hbm>>) dst(%arg10 : memref<8x2048xf32, #tpu.memory_space<vmem>>)
      %mul3A_106 = arith.constant 8 : i32
      %mul3A_107 = arith.muli %add3A_100, %mul3A_106 : i32
      %add3A_108 = arith.addi %mul3A_2, %mul3A_107 : i32
      %dma_start3A_109 = arith.constant 0 : i32
      %dma_start3A_110 = tpu.memref_slice %arg5[%add3A_108, %dma_start3A_109] : memref<32768x2048xf32, #tpu.memory_space<hbm>> -> memref<8x2048xf32, #tpu.memory_space<hbm>>
      %dma_start3A_111 = arith.constant 0 : i32
      %dma_start3A_112 = tpu.memref_slice %arg5[%add3A_108, %dma_start3A_111] : memref<32768x2048xf32, #tpu.memory_space<hbm>> -> memref<8x2048xf32, #tpu.memory_space<hbm>>
      tpu.enqueue_dma source(%arg10 : memref<8x2048xf32, #tpu.memory_space<vmem>>) target(%dma_start3A_112 : memref<8x2048xf32, #tpu.memory_space<hbm>>) target_semaphore(%arg18 : memref<!tpu.dma_semaphore, #tpu.memory_space<semaphore_mem>>)
      %add3A_113 = arith.constant 4 : i32
      %add3A_114 = arith.addi %add3A_100, %add3A_113 : i32
      %lt3A_115 = arith.constant 128 : i32
      %lt3A_116 = arith.cmpi slt, %add3A_114, %lt3A_115 : i32
      %convert_element_type3A_117 = arith.extui %lt3A_116 : i1 to i32
      %cond3A_118 = arith.constant 0 : i32
      %cond3A_119 = arith.cmpi ne, %convert_element_type3A_117, %cond3A_118 : i32
      scf.if %cond3A_119 {
        %dma_wait3A_141 = arith.constant 0 : i32
        %dma_wait3A_142 = tpu.memref_slice %arg5[%mul3A_2, %dma_wait3A_141] : memref<32768x2048xf32, #tpu.memory_space<hbm>> -> memref<8x2048xf32, #tpu.memory_space<hbm>>
        %dma_wait3A_143 = arith.constant 0 : i32
        %dma_wait3A_144 = tpu.memref_slice %arg5[%mul3A_2, %dma_wait3A_143] : memref<32768x2048xf32, #tpu.memory_space<hbm>> -> memref<8x2048xf32, #tpu.memory_space<hbm>>
        tpu.wait_dma2 semaphore(%arg18 : memref<!tpu.dma_semaphore, #tpu.memory_space<semaphore_mem>>) src(%arg10 : memref<8x2048xf32, #tpu.memory_space<vmem>>) dst(%dma_wait3A_144 : memref<8x2048xf32, #tpu.memory_space<hbm>>)
        %mul3A_145 = arith.constant 8 : i32
        %mul3A_146 = arith.muli %add3A_114, %mul3A_145 : i32
        %dma_start3A_147 = tpu.memref_slice %arg6[%mul3A_146] : memref<1024xi32, #tpu.memory_space<vmem>> -> memref<8xi32, #tpu.memory_space<vmem>>
        %dma_start3A_148 = arith.constant 0 : i32
        %dma_start3A_149 = arith.constant 0 : i32
        %dma_start3A_150 = tpu.memref_slice %arg2[%dma_start3A_148, %dma_start3A_149] : memref<8192x2048xf32, #tpu.memory_space<hbm>> -> memref<8192x2048xf32, #tpu.memory_space<hbm>>
        tpu.enqueue_indirect_dma source(%dma_start3A_150 : memref<8192x2048xf32, #tpu.memory_space<hbm>>) target(%arg10 : memref<8x2048xf32, #tpu.memory_space<vmem>>) offsets(%dma_start3A_147 : memref<8xi32, #tpu.memory_space<vmem>>) semaphore(%arg14 : memref<!tpu.dma_semaphore, #tpu.memory_space<semaphore_mem>>)
      } else {
      }
      %add3A_120 = arith.constant 3 : i32
      %add3A_121 = arith.addi %add3A_56, %add3A_120 : i32
      %dma_wait3A_122 = arith.constant 0 : i32
      %dma_wait3A_123 = tpu.memref_slice %arg6[%dma_wait3A_122] : memref<1024xi32, #tpu.memory_space<vmem>> -> memref<8xi32, #tpu.memory_space<vmem>>
      %dma_wait3A_124 = arith.constant 0 : i32
      %dma_wait3A_125 = arith.constant 0 : i32
      %dma_wait3A_126 = tpu.memref_slice %arg2[%dma_wait3A_124, %dma_wait3A_125] : memref<8192x2048xf32, #tpu.memory_space<hbm>> -> memref<8192x2048xf32, #tpu.memory_space<hbm>>
      tpu.wait_indirect_dma semaphore(%arg15 : memref<!tpu.dma_semaphore, #tpu.memory_space<semaphore_mem>>) src(%dma_wait3A_126 : memref<8192x2048xf32, #tpu.memory_space<hbm>>) dst(%arg11 : memref<8x2048xf32, #tpu.memory_space<vmem>>)
      %mul3A_127 = arith.constant 8 : i32
      %mul3A_128 = arith.muli %add3A_121, %mul3A_127 : i32
      %add3A_129 = arith.addi %mul3A_2, %mul3A_128 : i32
      %dma_start3A_130 = arith.constant 0 : i32
      %dma_start3A_131 = tpu.memref_slice %arg5[%add3A_129, %dma_start3A_130] : memref<32768x2048xf32, #tpu.memory_space<hbm>> -> memref<8x2048xf32, #tpu.memory_space<hbm>>
      %dma_start3A_132 = arith.constant 0 : i32
      %dma_start3A_133 = tpu.memref_slice %arg5[%add3A_129, %dma_start3A_132] : memref<32768x2048xf32, #tpu.memory_space<hbm>> -> memref<8x2048xf32, #tpu.memory_space<hbm>>
      tpu.enqueue_dma source(%arg11 : memref<8x2048xf32, #tpu.memory_space<vmem>>) target(%dma_start3A_133 : memref<8x2048xf32, #tpu.memory_space<hbm>>) target_semaphore(%arg19 : memref<!tpu.dma_semaphore, #tpu.memory_space<semaphore_mem>>)
      %add3A_134 = arith.constant 4 : i32
      %add3A_135 = arith.addi %add3A_121, %add3A_134 : i32
      %lt3A_136 = arith.constant 128 : i32
      %lt3A_137 = arith.cmpi slt, %add3A_135, %lt3A_136 : i32
      %convert_element_type3A_138 = arith.extui %lt3A_137 : i1 to i32
      %cond3A_139 = arith.constant 0 : i32
      %cond3A_140 = arith.cmpi ne, %convert_element_type3A_138, %cond3A_139 : i32
      scf.if %cond3A_140 {
        %dma_wait3A_141 = arith.constant 0 : i32
        %dma_wait3A_142 = tpu.memref_slice %arg5[%mul3A_2, %dma_wait3A_141] : memref<32768x2048xf32, #tpu.memory_space<hbm>> -> memref<8x2048xf32, #tpu.memory_space<hbm>>
        %dma_wait3A_143 = arith.constant 0 : i32
        %dma_wait3A_144 = tpu.memref_slice %arg5[%mul3A_2, %dma_wait3A_143] : memref<32768x2048xf32, #tpu.memory_space<hbm>> -> memref<8x2048xf32, #tpu.memory_space<hbm>>
        tpu.wait_dma2 semaphore(%arg19 : memref<!tpu.dma_semaphore, #tpu.memory_space<semaphore_mem>>) src(%arg11 : memref<8x2048xf32, #tpu.memory_space<vmem>>) dst(%dma_wait3A_144 : memref<8x2048xf32, #tpu.memory_space<hbm>>)
        %mul3A_145 = arith.constant 8 : i32
        %mul3A_146 = arith.muli %add3A_135, %mul3A_145 : i32
        %dma_start3A_147 = tpu.memref_slice %arg6[%mul3A_146] : memref<1024xi32, #tpu.memory_space<vmem>> -> memref<8xi32, #tpu.memory_space<vmem>>
        %dma_start3A_148 = arith.constant 0 : i32
        %dma_start3A_149 = arith.constant 0 : i32
        %dma_start3A_150 = tpu.memref_slice %arg2[%dma_start3A_148, %dma_start3A_149] : memref<8192x2048xf32, #tpu.memory_space<hbm>> -> memref<8192x2048xf32, #tpu.memory_space<hbm>>
        tpu.enqueue_indirect_dma source(%dma_start3A_150 : memref<8192x2048xf32, #tpu.memory_space<hbm>>) target(%arg11 : memref<8x2048xf32, #tpu.memory_space<vmem>>) offsets(%dma_start3A_147 : memref<8xi32, #tpu.memory_space<vmem>>) semaphore(%arg15 : memref<!tpu.dma_semaphore, #tpu.memory_space<semaphore_mem>>)
      } else {
      }
    }
    %scan3A_36 = arith.constant 32 : i32
    %dma_wait3A = arith.constant 0 : i32
    %dma_wait3A_37 = tpu.memref_slice %arg5[%mul3A_2, %dma_wait3A] : memref<32768x2048xf32, #tpu.memory_space<hbm>> -> memref<8x2048xf32, #tpu.memory_space<hbm>>
    %dma_wait3A_38 = arith.constant 0 : i32
    %dma_wait3A_39 = tpu.memref_slice %arg5[%mul3A_2, %dma_wait3A_38] : memref<32768x2048xf32, #tpu.memory_space<hbm>> -> memref<8x2048xf32, #tpu.memory_space<hbm>>
    tpu.wait_dma2 semaphore(%arg16 : memref<!tpu.dma_semaphore, #tpu.memory_space<semaphore_mem>>) src(%arg8 : memref<8x2048xf32, #tpu.memory_space<vmem>>) dst(%dma_wait3A_39 : memref<8x2048xf32, #tpu.memory_space<hbm>>)
    %dma_wait3A_40 = arith.constant 0 : i32
    %dma_wait3A_41 = tpu.memref_slice %arg5[%mul3A_2, %dma_wait3A_40] : memref<32768x2048xf32, #tpu.memory_space<hbm>> -> memref<8x2048xf32, #tpu.memory_space<hbm>>
    %dma_wait3A_42 = arith.constant 0 : i32
    %dma_wait3A_43 = tpu.memref_slice %arg5[%mul3A_2, %dma_wait3A_42] : memref<32768x2048xf32, #tpu.memory_space<hbm>> -> memref<8x2048xf32, #tpu.memory_space<hbm>>
    tpu.wait_dma2 semaphore(%arg17 : memref<!tpu.dma_semaphore, #tpu.memory_space<semaphore_mem>>) src(%arg9 : memref<8x2048xf32, #tpu.memory_space<vmem>>) dst(%dma_wait3A_43 : memref<8x2048xf32, #tpu.memory_space<hbm>>)
    %dma_wait3A_44 = arith.constant 0 : i32
    %dma_wait3A_45 = tpu.memref_slice %arg5[%mul3A_2, %dma_wait3A_44] : memref<32768x2048xf32, #tpu.memory_space<hbm>> -> memref<8x2048xf32, #tpu.memory_space<hbm>>
    %dma_wait3A_46 = arith.constant 0 : i32
    %dma_wait3A_47 = tpu.memref_slice %arg5[%mul3A_2, %dma_wait3A_46] : memref<32768x2048xf32, #tpu.memory_space<hbm>> -> memref<8x2048xf32, #tpu.memory_space<hbm>>
    tpu.wait_dma2 semaphore(%arg18 : memref<!tpu.dma_semaphore, #tpu.memory_space<semaphore_mem>>) src(%arg10 : memref<8x2048xf32, #tpu.memory_space<vmem>>) dst(%dma_wait3A_47 : memref<8x2048xf32, #tpu.memory_space<hbm>>)
    %dma_wait3A_48 = arith.constant 0 : i32
    %dma_wait3A_49 = tpu.memref_slice %arg5[%mul3A_2, %dma_wait3A_48] : memref<32768x2048xf32, #tpu.memory_space<hbm>> -> memref<8x2048xf32, #tpu.memory_space<hbm>>
    %dma_wait3A_50 = arith.constant 0 : i32
    %dma_wait3A_51 = tpu.memref_slice %arg5[%mul3A_2, %dma_wait3A_50] : memref<32768x2048xf32, #tpu.memory_space<hbm>> -> memref<8x2048xf32, #tpu.memory_space<hbm>>
    tpu.wait_dma2 semaphore(%arg19 : memref<!tpu.dma_semaphore, #tpu.memory_space<semaphore_mem>>) src(%arg11 : memref<8x2048xf32, #tpu.memory_space<vmem>>) dst(%dma_wait3A_51 : memref<8x2048xf32, #tpu.memory_space<hbm>>)
    return
  }
}

</mosaic_0001>

<sc_bundles>
// kernel: _dispatch.3.cloned.1.call-start
scs
__scs_entry_jumppad:
0x0: {  	(pc) =	sbr.rel $0x88, $3  }
0x1: {  	(tag) =	ssettag $0x0;
	lr =	simm.s32 $0x1  }
0x2: {  	[smem:$0x3F9E] =	sst lr;
	_ =	strace $0xD0000000  }
0x3: {  	_ = 	snop  }
0x4: {  	_ = 	snop  }
0x5: {  	_ = 	snop  }
0x6: {  	_ = 	snop  }
0x7: {  	_ = 	snop  }
__scs_overlays_trampoline_lowered:
0x8: {  	[smem:$0x3FAD] =	sst s0  }
0x9: {  	[smem:$0x3FAE] =	sst s1  }
0xa: {  	[smem:$0x3FAF] =	sst s2  }
0xb: {  	[smem:$0x3FB0] =	sst s3  }
0xc: {  	[smem:$0x3FB1] =	sst s4  }
0xd: {  	[smem:$0x3FB2] =	sst s5  }
0xe: {  	[smem:$0x3FB3] =	sst s6  }
0xf: {  	[smem:$0x3FB4] =	sst s7  }
0x10: {  	[smem:$0x3FB5] =	sst s8  }
0x11: {  	[smem:$0x3FB6] =	sst s9;
	s0 =	simm.s32 @!p0 $0x0  }
0x12: {  	s1 =	sld [smem:$0x3F9C];
	s0 =	simm.s32 @p0 $0x1  }
0x13: {  	[smem:$0x3FB7] =	sst s0;
	s0 =	simm.s32 @!p1 $0x0  }
0x14: {  	s2 =	sld [smem:$0x3F9B];
	s0 =	simm.s32 @p1 $0x1  }
0x15: {  	[smem:$0x3FB8] =	sst s0;
	s0 =	simm.s32 @!p2 $0x0  }
0x16: {  	s3 =	sld [smem:$0x3FDB];
	s0 =	simm.s32 @p2 $0x1  }
0x17: {  	s4 =	simm.s32 $0x1BF5;
	[smem:$0x3FBA] =	sst s0  }
0x18: {  	s0 =	sld [smem:$0x3F9D];
	_ =	swait.ge [sflag:s4], $0x0  }
0x19: {  	s7 =	sld [smem:$0x3F9E]  }
0x1a: {  	s8 =	sadd.s32 $0xFFFFE003, lr  }
0x1b: {  	s9 =	sadd.s32 $0xFFFFFEF7, lr;
	s5 =	simm.s32 $0xFFFFFFFF;
	p2 =	slt.u32 s8, $0xFFFFF086  }
0x1c: {  	p1 =	slt.u32 s9, $0xF7A;
	s5 =	simm.s32 @!p2 $0x0  }
0x1d: {  	s5 =	simm.s32 @p1 $0x1;
	p0 =	seq.s32 s7, s2  }
0x1e: {  	s7 =	smul.u32 @!p0 $0xF7A, s2;
	p2 =	seq.s32 @!p0 s5, $0x0  }
0x1f: {  	s9 =	smul.u32 $0xF7A, s1;
	s8 =	simm.s32 @!p0 $0x1BF5;
	p2 =	por !p2, p0  }
0x20: {  	[sflag:s8] =	ssyncset.s32 @!p0 $0xFFFFF086;
	s6 =	sadd.s32 @!p0 s3, s7;
	s7 =	simm.s32 @!p0 $0x108  }
0x21: {  	s3 =	sadd.s32 s3, s9;
	s6 =	sadd.s32 @!p0 $0x88, s6;
	s7 =	simm.s32 @p2 $0x1082  }
0x22: {  	[simem:s7], [sflag:s8] =	dma.local @!p0 [hbm:s6], $0xF7A  }
0x23: {  	s9 =	sor.u32 $0xD0000000, s2;
	s6 =	simm.s32 $0x108;
	_ =	swait.ge @!p0 [sflag:s8], $0x0  }
0x24: {  	s3 =	sadd.s32 $0x88, s3;
	s6 =	simm.s32 @!p1 $0x1082;
	[sflag:s4] =	ssyncset.s32 $0xFFFFF086  }
0x25: {  	[simem:s6], [sflag:s4] =	dma.local [hbm:s3], $0xF7A  }
0x26: {  	[smem:$0x3F9E] =	sst s1;
	(tag) =	ssettag s2;
	_ =	strace s9  }
0x27: {  	s1 =	sld [smem:$0x3FAE]  }
0x28: {  	s2 =	sld [smem:$0x3FAF]  }
0x29: {  	s4 =	sld [smem:$0x3FB1]  }
0x2a: {  	p0 =	seq.s32 s5, $0x0;
	s5 =	sld [smem:$0x3FB2]  }
0x2b: {  	s6 =	sld [smem:$0x3FB3]  }
0x2c: {  	s7 =	sld [smem:$0x3FB4]  }
0x2d: {  	s3 =	simm.s32 $0x108;
	s8 =	sld [smem:$0x3FB5]  }
0x2e: {  	s3 =	simm.s32 @!p0 $0x1082;
	s9 =	sld [smem:$0x3FB6]  }
0x2f: {  	lr =	sadd.s32 s0, s3;
	s0 =	sld [smem:$0x3FAD]  }
0x30: {  	s3 =	sld [smem:$0x3FB0]  }
0x31: {  	[smem:$0x3FB9] =	sst s10  }
0x32: {  	s10 =	sld [smem:$0x3FB7];
	_ =	sdelay $0x3  }
0x33: {  	p0 =	seq.s32 s10, $0x1;
	s10 =	sld [smem:$0x3FB9];
	_ =	sdelay $0x3  }
0x34: {  	[smem:$0x3FB9] =	sst s10  }
0x35: {  	s10 =	sld [smem:$0x3FB8];
	_ =	sdelay $0x3  }
0x36: {  	p1 =	seq.s32 s10, $0x1;
	s10 =	sld [smem:$0x3FB9];
	_ =	sdelay $0x3  }
0x37: {  	[smem:$0x3FB9] =	sst s10  }
0x38: {  	s10 =	sld [smem:$0x3FBA]  }
0x39: {  	_ = 	snop;
	(pc) =	sbr.ind lr, $3  }
0x3a: {  	_ = 	snop  }
0x3b: {  	_ = 	snop  }
0x3c: {  	p2 =	seq.s32 s10, $0x1;
	s10 =	sld [smem:$0x3FB9]  }
0x3d: {  	_ =	shalt  }
0x3e: {  	_ =	shalt  }
0x3f: {  	_ =	shalt  }
0x40: {  	_ =	shalt  }
0x41: {  	_ =	shalt  }
0x42: {  	_ =	shalt  }
0x43: {  	_ =	shalt  }
0x44: {  	_ =	shalt  }
0x45: {  	_ =	shalt  }
0x46: {  	_ =	shalt  }
0x47: {  	_ =	shalt  }
0x48: {  	_ =	shalt  }
0x49: {  	_ =	shalt  }
0x4a: {  	_ =	shalt  }
0x4b: {  	_ =	shalt  }
0x4c: {  	_ =	shalt  }
0x4d: {  	_ =	shalt  }
0x4e: {  	_ =	shalt  }
0x4f: {  	_ =	shalt  }
0x50: {  	_ =	shalt  }
0x51: {  	_ =	shalt  }
0x52: {  	_ =	shalt  }
0x53: {  	_ =	shalt  }
0x54: {  	_ =	shalt  }
0x55: {  	_ =	shalt  }
0x56: {  	_ =	shalt  }
0x57: {  	_ =	shalt  }
0x58: {  	_ =	shalt  }
0x59: {  	_ =	shalt  }
0x5a: {  	_ =	shalt  }
0x5b: {  	_ =	shalt  }
0x5c: {  	_ =	shalt  }
0x5d: {  	_ =	shalt  }
0x5e: {  	_ =	shalt  }
0x5f: {  	_ =	shalt  }
0x60: {  	_ =	shalt  }
0x61: {  	_ =	shalt  }
0x62: {  	_ =	shalt  }
0x63: {  	_ =	shalt  }
0x64: {  	_ =	shalt  }
0x65: {  	_ =	shalt  }
0x66: {  	_ =	shalt  }
0x67: {  	_ =	shalt  }
0x68: {  	_ =	shalt  }
0x69: {  	_ =	shalt  }
0x6a: {  	_ =	shalt  }
0x6b: {  	_ =	shalt  }
0x6c: {  	_ =	shalt  }
0x6d: {  	_ =	shalt  }
0x6e: {  	_ =	shalt  }
0x6f: {  	_ =	shalt  }
0x70: {  	_ =	shalt  }
0x71: {  	_ =	shalt  }
0x72: {  	_ =	shalt  }
0x73: {  	_ =	shalt  }
0x74: {  	_ =	shalt  }
0x75: {  	_ =	shalt  }
0x76: {  	_ =	shalt  }
0x77: {  	_ =	shalt  }
0x78: {  	_ =	shalt  }
0x79: {  	_ =	shalt  }
0x7a: {  	_ =	shalt  }
0x7b: {  	_ =	shalt  }
0x7c: {  	_ =	shalt  }
0x7d: {  	_ =	shalt  }
0x7e: {  	_ =	shalt  }
0x7f: {  	_ =	shalt  }
0x80: {  	_ =	shalt  }
0x81: {  	_ =	shalt  }
0x82: {  	_ =	shalt  }
0x83: {  	_ =	shalt  }
0x84: {  	_ =	shalt  }
0x85: {  	_ =	shalt  }
0x86: {  	_ =	shalt  }
0x87: {  	_ =	shalt  }
.Lfunc_end0:
.L_simem_size_0:
called_computation_lowered:
.L_overlay_start_0:
0x88: {  	s2 =	sld [smem:$0x3FD9]  }
0x89: {  	s3 =	sld [smem:$0x3FFE];
	_ =	sdelay $0x1  }
0x8a: {  	s1 =	srdreg.scid  }
0x8b: {  	s0 =	sand.u32 $0x1, s1  }
0x8c: {  	s18 =	sshll.u32 s0, $0xA;
	s2 =	sadd.s32 s3, s2  }
0x8d: {  	s2 =	sadd.s32 s2, s18  }
0x8e: {  	[smem:$0x3FC5] =	sst s2  }
0x8f: {  	_ = 	snop  }
0x90: {  	s2 =	sld [smem:$0x3FC9]  }
0x91: {  	s19 =	sld [smem:$0x3FC8]  }
0x92: {  	s4 =	sld [smem:$0x3FC7]  }
0x93: {  	s5 =	sld [smem:$0x3FD0];
	(tm) =	ssettm $0x1  }
0x94: {  	s6 =	sld [smem:$0x3FFB];
	_ =	sdelay $0x3  }
0x95: {  	_ =	strace s6  }
0x96: {  	s6 =	sld [smem:$0x3FFC];
	_ =	sdelay $0x3  }
0x97: {  	_ =	strace s6  }
0x98: {  	s6 =	sld [smem:$0x3FFD];
	_ =	sdelay $0x3  }
0x99: {  	_ =	strace s6  }
0x9a: {  	_ =	strace $0x8FFFFFFF  }
0x9b: {  	s20 =	sld [smem:$0x3FDB];
	_ =	sdelay $0x1  }
0x9c: {  	s7 =	simm.s32 $_scs_section_size  }
0x9d: {  	s8 =	simm.s32 $_size__tile_overlayer_lowered;
	s9 =	simm.s32 $_tile_overlayer_lowered  }
0x9e: {  	s23 =	simm.s32 $0x1BFF;
	s22 =	sshll.u32 s9, $0x1;
	s6 =	sadd.s32 s7, s20  }
0x9f: {  	s10 =	simm.s32 $0x0;
	s21 =	sshll.u32 s8, $0x1;
	s8 =	sadd.s32 s22, s6  }
0xa0: {  	[timem:s10], [sflag:s23] =	dma.local [hbm:s8], s21  }
0xa1: {  	_ =	swait.ge [sflag:s23], s21  }
0xa2: {  	s7 =	ssub.s32 $0x0, s21;
	[sflag:s23] =	ssyncset.done $0x0  }
0xa3: {  	[sflag:s23] =	ssyncadd.s32 s7;
	_ =	sdelay $0x1  }
0xa4: {  	s24 =	simm.s32 $0x1B8B  }
0xa5: {  	_ =	swait.ge [sflag:s24], $0x1  }
0xa6: {  	[sflag:s24] =	ssyncset.done $0x0  }
0xa7: {  	s25 =	simm.s32 $0x1B8E;
	[sflag:s24] =	ssyncadd.s32 $0xFFFFFFFF  }
0xa8: {  	s26 =	simm.s32 $execute0_lowered;
	[smem:$0x3FD2] =	sst s25  }
0xa9: {  	s7 =	sshll.u32 s26, $0x1;
	_ =	strace $0x80000046;
	[dreg:$0x1] =	wrdreg $0xFFFFFFFF  }
0xaa: {  	s28 =	simm.s32 $_size_execute0_lowered;
	s6 =	sadd.s32 s6, s7;
	[dreg:$0x0] =	wrdreg $0x0  }
0xab: {  	s7 =	sshll.u32 s28, $0x1;
	[dreg:$0x2] =	wrdreg s6  }
0xac: {  	[dreg:$0x3] =	wrdreg s7  }
0xad: {  	[dreg:$0x4] =	wrdreg $0xC0  }
0xae: {  	_ =	task [dreg:s10], $0x5FFFF  }
0xaf: {  	[dreg:$0x1] =	wrdreg $0xFFFFFFFF  }
0xb0: {  	[dreg:$0x0] =	wrdreg $0x60  }
0xb1: {  	[dreg:$0x2] =	wrdreg s2  }
0xb2: {  	[dreg:$0x3] =	wrdreg s19  }
0xb3: {  	[dreg:$0x4] =	wrdreg s4  }
0xb4: {  	[dreg:$0x5] =	wrdreg s5  }
0xb5: {  	[dreg:$0x6] =	wrdreg $0x9  }
0xb6: {  	_ =	task.clear_ibuf [dreg:s10], $0x7FFFF;
	_ =	strace $0x90000046  }
0xb7: {  	s29 =	simm.s32 $0x9;
	_ =	strace $0x80000048  }
0xb8: {  	_ =	swait.ge [sflag:s29], $0x1  }
0xb9: {  	[sflag:s29] =	ssyncadd.s32 $0xFFFFFFFF  }
0xba: {  	_ =	strace $0x90000048  }
0xbb: {  	_ =	sfence  }
0xbc: {  	s30 =	sld [smem:$0x0];
	_ =	sdelay $0x2  }
0xbd: {  	s31 =	sshll.u32 s1, $0xD;
	s1 =	sshrl.u32 s1, $0x2  }
0xbe: {  	s3 =	sand.u32 $0x4000, s31;
	s1 =	sadd.s32 s1, s30  }
0xbf: {  	s0 =	sor.u32 s3, s0;
	s1 =	sshll.u32 s1, $0x11  }
0xc0: {  	s0 =	sor.u32 s1, s0  }
0xc1: {  	s0 =	sadd.s32 $0x8F2B, s0  }
0xc2: {  	[sflag:s0] =	ssyncadd.remote.s32 $0x1  }
0xc3: {  	_ =	sfence.sel $0xFFFF  }
0xc4: {  	[dreg:$0x0] =	wrdreg $0xFFFFFFFF;
	(pc) =	sbr.abs _section_cstart, $3  }
0xc5: {  	[dreg:$0x1] =	wrdreg $0xFFFFFFFF  }
0xc6: {  	_ =	task.clear_ibuf [dreg:s10], $0x2FFFF;
	_ =	strace $0x9FFFFFFF  }
0xc7: {  	(tm) =	ssettm $0x7FFFFFFF  }
tec
execute0_lowered:
.L_overlay_start_1:
0x0: {  	(tag) =	ssettag $0x1  }
0x1: {  	s1 =	rddreg [dreg:$0x0]  }
0x2: {  	s9 =	rddreg [dreg:$0x1]  }
0x3: {  	s0 =	rddreg [dreg:$0x2];
	s2 =	srdreg.scid  }
0x4: {  	s16 =	stileid.u32;
	s3 =	rddreg [dreg:$0x3];
	s4 =	simm.s32 $0x0  }
0x5: {  	s24 =	simm.s32 $0x4800;
	s23 =	simm.s32 $0xC800;
	s28 =	simm.s32 $0xE000  }
0x6: {  	s29 =	simm.s32 $0xE800;
	s30 =	simm.s32 $0xF000;
	s31 =	simm.s32 $0xF800  }
0x7: {  	s17 =	simm.s32 $0x2;
	s18 =	simm.s32 $0x3;
	s19 =	simm.s32 $0x4  }
0x8: {  	s2 =	sand.u32 $0x1, s2;
	s5 =	sshll.u32 s16, $0x1;
	[smem:$0x7FF] =	sst s4  }
0x9: {  	s10 =	sadd.s32 $0x400, s1;
	s11 =	sadd.s32 $0x500, s1;
	s25 =	sshll.u32 s16, $0x13  }
0xa: {  	s12 =	sadd.s32 $0x600, s1;
	s13 =	sadd.s32 $0x700, s1;
	p0 =	sgt.u32 s16, $0x7  }
0xb: {  	s16 =	simm.s32 $0x800;
	s5 =	sor.u32 s2, s5;
	_ =	strace $0x80000047  }
0xc: {  	s7 =	ssub.s32 $0x2, s2;
	s2 =	sshll.u32 s2, $0x12;
	s6 =	sshll.u32 s5, $0xA  }
0xd: {  	s8 =	sshrl.u32 s7, $0x1;
	s5 =	sshll.u32 s5, $0x7;
	s6 =	sadd.s32 $0xFFFFC000, s6  }
0xe: {  	s14 =	ssub.s32 s7, s8;
	s0 =	sadd.s32 s0, s5;
	s7 =	sadd.s32 $0x100, s1  }
0xf: {  	s8 =	sadd.s32 $0x200, s1;
	s5 =	simm.s32 $0x8;
	s6 =	sshrl.u32 s6, $0x3  }
.Ltmp0:
0x10: {  	[dreg:$0x6] =	wrdreg s0;
	s0 =	sadd.s32 s25, s3;
	(pc) =	sbr.rel .LBB2_1-.Ltmp0, $4  }
0x11: {  	s26 =	smax.u32 s14, $0x1;
	s25 =	simm.s32 $0xD000;
	s3 =	simm.s32 $0x10000  }
0x12: {  	v0 =	vlaneseq.u32;
	s14 =	simm.s32 $0x0;
	s6 =	sadd.s32 s9, s6;
	s9 =	sadd.s32 $0x300, s1  }
0x13: {  	v1 =	vshrl.u32 v0, $0x3;
	[dreg:$0x7] =	wrdreg s26;
	s15 =	sadd.s32 s2, s0;
	s0 =	simm.s32 $0x8800  }
0x14: {  	vm0 =	vmmov $0xffff;
	v0 =	vand.u32 $0x7, v0;
	v1 =	vmul.u32 $0x8, v1;
	s26 =	simm.s32 $0xD800;
	s2 =	simm.s32 $0x1;
	[dreg:$0x5] =	wrdreg s6  }
.LBB2_6:
0x15: {  	s6 =	simm.s32 $0x5  }
0x16: {  	_ =	swait.ge [sflag:s6], $0x4000  }
0x17: {  	[sflag:s6] =	ssyncset.done $0x0  }
0x18: {  	s20 =	simm.s32 $0x6;
	[sflag:s6] =	ssyncadd.s32 $0xFFFFC000  }
0x19: {  	_ =	swait.ge [sflag:s20], $0x4000  }
0x1a: {  	[sflag:s20] =	ssyncset.done $0x0  }
0x1b: {  	s21 =	simm.s32 $0x7;
	[sflag:s20] =	ssyncadd.s32 $0xFFFFC000  }
0x1c: {  	_ =	swait.ge [sflag:s21], $0x4000  }
0x1d: {  	[sflag:s21] =	ssyncset.done $0x0  }
0x1e: {  	[sflag:s21] =	ssyncadd.s32 $0xFFFFC000  }
0x1f: {  	_ =	swait.ge [sflag:s5], $0x4000  }
0x20: {  	s14 =	rddreg [dreg:$0x8]  }
0x21: {  	s22 =	rddreg [dreg:$0x7];
	s14 =	sadd.s32 $0x1, s14  }
0x22: {  	p1 =	sne.s32 s14, s22  }
.Ltmp1:
0x23: {  	_ = 	snop;
	(pc) =	sbr.rel @!p1 .LBB2_7-.Ltmp1, $3  }
0x24: {  	_ =	sdelay $0x1  }
0x25: {  	[sflag:s5] =	ssyncset.done $0x0  }
0x26: {  	[sflag:s5] =	ssyncadd.s32 $0xFFFFC000  }
.LBB2_1:
0x27: {  	[dreg:$0x8] =	wrdreg s14  }
0x28: {  	s14 =	simm.s32 @p0 $0x0;
	s6 =	rddreg [dreg:$0x5];
	s20 =	simm.s32 @!p0 $0x400  }
0x29: {  	[tilespmem:s14], [sflag:$0x9] =	stream.linear.gather @p0 [hbm4b:s6+s14], $0x400, $0x38;
	[tilespmem:$0x10800] =	vst v63  }
0x2a: {  	s21 =	simm.s32 @!p0 $0x9;
	s14 =	simm.s32 @!p0 $0x0;
	s6 =	rddreg [dreg:$0x6]  }
0x2b: {  	[tilespmem:s20], [sflag:$0x9] =	stream.linear.gather @!p0 [hbm4b:s6+s14], $0x400, $0x38;
	[tilespmem:$0x10800] =	vst v63  }
0x2c: {  	_ =	swait.ge @!p0 [sflag:s21], $0x400  }
0x2d: {  	[sflag:s21] =	ssyncset.done @!p0 $0x0  }
0x2e: {  	[sflag:s21] =	ssyncadd.s32 @!p0 $0xFFFFFC00  }
0x2f: {  	s6 =	rddreg [dreg:$0x1]  }
0x30: {  	[tilespmem:s14], [sflag:$0x1] =	stream.indirect.gather @!p0 [hbm4b:s6+s20], $0x1, s20, s20, $0xb8;
	[tilespmem:$0x10800] =	vst v63  }
0x31: {  	s14 =	simm.s32 @!p0 $0x1  }
0x32: {  	s14 =	simm.s32 @p0 $0x9  }
0x33: {  	_ =	swait.ge [sflag:s14], $0x400  }
0x34: {  	[sflag:s14] =	ssyncset.done $0x0  }
0x35: {  	s20 =	simm.s32 $0x40;
	[sflag:s14] =	ssyncadd.s32 $0xFFFFFC00;
	s14 =	simm.s32 $0x0  }
.LBB2_2:
0x36: {  	p1 =	sne.s32 s20, $0xFC0;
	v2 =	vld [tilespmem:s14+$0x0];
	_ =	sdelay $0x1  }
.Ltmp2:
0x37: {  	(pc) =	sbr.rel @p1 .LBB2_2-.Ltmp2, $3  }
0x38: {  	_ =	sdelay $0x1  }
0x39: {  	v2 =	vshra.s32 v2, $0x1  }
0x3a: {  	[tilespmem:s14+$0x0] =	vst v2;
	s14 =	sshra.s32 s20, $0x2;
	s20 =	sadd.s32 $0x40, s20  }
0x3b: {  	v2 =	vld [tilespmem:s14+$0x0];
	_ =	sdelay $0x4  }
0x3c: {  	v2 =	vshra.s32 v2, $0x1  }
0x3d: {  	[tilespmem:s14+$0x0] =	vst v2  }
0x3e: {  	v2 =	vld.msk [tilespmem:$0x0], $0xff;
	_ =	sdelay $0x4  }
0x3f: {  	v3 =	vshll.u32 v2, $0x4  }
0x40: {  	v2 =	vand.u32 $0x7, v2;
	v3 =	vand.u32 $0xFFFFFF80, v3  }
0x41: {  	v2 =	vor.u32 v2, v3  }
0x42: {  	v2 =	vperm.xlane v2, v0;
	_ =	sdelay $0x1  }
0x43: {  	v2 =	vadd.s32 v1, v2;
	_ =	sdelay $0x3  }
0x44: {  	s14 =	simm.s32 $0x0  }
0x45: {  	[tilespmem:s16], [sflag:$0x1] =	stream.indirect_vreg.gather [hbm4b:s1+s14], $0x80, v2, vm0, $0xb8;
	[tilespmem:$0x10800] =	vst v63  }
0x46: {  	s6 =	simm.s32 $0x1000  }
0x47: {  	[tilespmem:s6], [sflag:$0x1] =	stream.indirect_vreg.gather [hbm4b:s7+s14], $0x80, v2, vm0, $0xb8;
	[tilespmem:$0x10800] =	vst v63  }
0x48: {  	s21 =	simm.s32 $0x1800  }
0x49: {  	[tilespmem:s21], [sflag:$0x1] =	stream.indirect_vreg.gather [hbm4b:s8+s14], $0x80, v2, vm0, $0xb8;
	[tilespmem:$0x10800] =	vst v63  }
0x4a: {  	s22 =	simm.s32 $0x2000  }
0x4b: {  	[tilespmem:s22], [sflag:$0x1] =	stream.indirect_vreg.gather [hbm4b:s9+s14], $0x80, v2, vm0, $0xb8;
	[tilespmem:$0x10800] =	vst v63  }
0x4c: {  	s20 =	simm.s32 $0x2800  }
0x4d: {  	[tilespmem:s20], [sflag:$0x1] =	stream.indirect_vreg.gather [hbm4b:s10+s14], $0x80, v2, vm0, $0xb8;
	[tilespmem:$0x10800] =	vst v63  }
0x4e: {  	s21 =	simm.s32 $0x3000  }
0x4f: {  	[tilespmem:s21], [sflag:$0x1] =	stream.indirect_vreg.gather [hbm4b:s11+s14], $0x80, v2, vm0, $0xb8;
	[tilespmem:$0x10800] =	vst v63  }
0x50: {  	s22 =	simm.s32 $0x3800  }
0x51: {  	[tilespmem:s22], [sflag:$0x1] =	stream.indirect_vreg.gather [hbm4b:s12+s14], $0x80, v2, vm0, $0xb8;
	[tilespmem:$0x10800] =	vst v63  }
0x52: {  	s20 =	simm.s32 $0x4000  }
0x53: {  	[tilespmem:s20], [sflag:$0x1] =	stream.indirect_vreg.gather [hbm4b:s13+s14], $0x80, v2, vm0, $0xb8;
	[tilespmem:$0x10800] =	vst v63  }
0x54: {  	v2 =	vld.msk [tilespmem:$0x8], $0xff;
	_ =	sdelay $0x4  }
0x55: {  	v3 =	vshll.u32 v2, $0x4  }
0x56: {  	v2 =	vand.u32 $0x7, v2;
	v3 =	vand.u32 $0xFFFFFF80, v3  }
0x57: {  	v2 =	vor.u32 v2, v3  }
0x58: {  	v2 =	vperm.xlane v2, v0;
	_ =	sdelay $0x1  }
0x59: {  	v2 =	vadd.s32 v1, v2;
	_ =	sdelay $0x4  }
0x5a: {  	[tilespmem:s24], [sflag:$0x2] =	stream.indirect_vreg.gather [hbm4b:s1+s14], $0x80, v2, vm0, $0xb8;
	[tilespmem:$0x10800] =	vst v63  }
0x5b: {  	s21 =	simm.s32 $0x5000  }
0x5c: {  	[tilespmem:s21], [sflag:$0x2] =	stream.indirect_vreg.gather [hbm4b:s7+s14], $0x80, v2, vm0, $0xb8;
	[tilespmem:$0x10800] =	vst v63  }
0x5d: {  	s22 =	simm.s32 $0x5800  }
0x5e: {  	[tilespmem:s22], [sflag:$0x2] =	stream.indirect_vreg.gather [hbm4b:s8+s14], $0x80, v2, vm0, $0xb8;
	[tilespmem:$0x10800] =	vst v63  }
0x5f: {  	s20 =	simm.s32 $0x6000  }
0x60: {  	[tilespmem:s20], [sflag:$0x2] =	stream.indirect_vreg.gather [hbm4b:s9+s14], $0x80, v2, vm0, $0xb8;
	[tilespmem:$0x10800] =	vst v63  }
0x61: {  	s21 =	simm.s32 $0x6800  }
0x62: {  	[tilespmem:s21], [sflag:$0x2] =	stream.indirect_vreg.gather [hbm4b:s10+s14], $0x80, v2, vm0, $0xb8;
	[tilespmem:$0x10800] =	vst v63  }
0x63: {  	s22 =	simm.s32 $0x7000  }
0x64: {  	[tilespmem:s22], [sflag:$0x2] =	stream.indirect_vreg.gather [hbm4b:s11+s14], $0x80, v2, vm0, $0xb8;
	[tilespmem:$0x10800] =	vst v63  }
0x65: {  	s20 =	simm.s32 $0x7800  }
0x66: {  	[tilespmem:s20], [sflag:$0x2] =	stream.indirect_vreg.gather [hbm4b:s12+s14], $0x80, v2, vm0, $0xb8;
	[tilespmem:$0x10800] =	vst v63  }
0x67: {  	s21 =	simm.s32 $0x8000  }
0x68: {  	[tilespmem:s21], [sflag:$0x2] =	stream.indirect_vreg.gather [hbm4b:s13+s14], $0x80, v2, vm0, $0xb8;
	[tilespmem:$0x10800] =	vst v63  }
0x69: {  	v2 =	vld.msk [tilespmem:$0x10], $0xff;
	_ =	sdelay $0x4  }
0x6a: {  	v3 =	vshll.u32 v2, $0x4  }
0x6b: {  	v2 =	vand.u32 $0x7, v2;
	v3 =	vand.u32 $0xFFFFFF80, v3  }
0x6c: {  	v2 =	vor.u32 v2, v3  }
0x6d: {  	v2 =	vperm.xlane v2, v0;
	_ =	sdelay $0x1  }
0x6e: {  	v2 =	vadd.s32 v1, v2;
	_ =	sdelay $0x4  }
0x6f: {  	[tilespmem:s0], [sflag:$0x3] =	stream.indirect_vreg.gather [hbm4b:s1+s14], $0x80, v2, vm0, $0xb8;
	[tilespmem:$0x10800] =	vst v63  }
0x70: {  	s22 =	simm.s32 $0x9000  }
0x71: {  	[tilespmem:s22], [sflag:$0x3] =	stream.indirect_vreg.gather [hbm4b:s7+s14], $0x80, v2, vm0, $0xb8;
	[tilespmem:$0x10800] =	vst v63  }
0x72: {  	s20 =	simm.s32 $0x9800  }
0x73: {  	[tilespmem:s20], [sflag:$0x3] =	stream.indirect_vreg.gather [hbm4b:s8+s14], $0x80, v2, vm0, $0xb8;
	[tilespmem:$0x10800] =	vst v63  }
0x74: {  	s21 =	simm.s32 $0xA000  }
0x75: {  	[tilespmem:s21], [sflag:$0x3] =	stream.indirect_vreg.gather [hbm4b:s9+s14], $0x80, v2, vm0, $0xb8;
	[tilespmem:$0x10800] =	vst v63  }
0x76: {  	s22 =	simm.s32 $0xA800  }
0x77: {  	[tilespmem:s22], [sflag:$0x3] =	stream.indirect_vreg.gather [hbm4b:s10+s14], $0x80, v2, vm0, $0xb8;
	[tilespmem:$0x10800] =	vst v63  }
0x78: {  	s20 =	simm.s32 $0xB000  }
0x79: {  	[tilespmem:s20], [sflag:$0x3] =	stream.indirect_vreg.gather [hbm4b:s11+s14], $0x80, v2, vm0, $0xb8;
	[tilespmem:$0x10800] =	vst v63  }
0x7a: {  	s21 =	simm.s32 $0xB800  }
0x7b: {  	[tilespmem:s21], [sflag:$0x3] =	stream.indirect_vreg.gather [hbm4b:s12+s14], $0x80, v2, vm0, $0xb8;
	[tilespmem:$0x10800] =	vst v63  }
0x7c: {  	s22 =	simm.s32 $0xC000  }
0x7d: {  	[tilespmem:s22], [sflag:$0x3] =	stream.indirect_vreg.gather [hbm4b:s13+s14], $0x80, v2, vm0, $0xb8;
	[tilespmem:$0x10800] =	vst v63  }
0x7e: {  	v2 =	vld.msk [tilespmem:$0x18], $0xff;
	_ =	sdelay $0x4  }
0x7f: {  	v3 =	vshll.u32 v2, $0x4  }
0x80: {  	v2 =	vand.u32 $0x7, v2;
	v3 =	vand.u32 $0xFFFFFF80, v3  }
0x81: {  	v2 =	vor.u32 v2, v3  }
0x82: {  	v2 =	vperm.xlane v2, v0;
	_ =	sdelay $0x1  }
0x83: {  	v2 =	vadd.s32 v1, v2;
	_ =	sdelay $0x4  }
0x84: {  	[tilespmem:s23], [sflag:$0x4] =	stream.indirect_vreg.gather [hbm4b:s1+s14], $0x80, v2, vm0, $0xb8;
	[tilespmem:$0x10800] =	vst v63  }
0x85: {  	_ = 	snop  }
0x86: {  	[tilespmem:s25], [sflag:$0x4] =	stream.indirect_vreg.gather [hbm4b:s7+s14], $0x80, v2, vm0, $0xb8;
	[tilespmem:$0x10800] =	vst v63  }
0x87: {  	_ = 	snop  }
0x88: {  	[tilespmem:s26], [sflag:$0x4] =	stream.indirect_vreg.gather [hbm4b:s8+s14], $0x80, v2, vm0, $0xb8;
	[tilespmem:$0x10800] =	vst v63  }
0x89: {  	_ = 	snop  }
0x8a: {  	[tilespmem:s28], [sflag:$0x4] =	stream.indirect_vreg.gather [hbm4b:s9+s14], $0x80, v2, vm0, $0xb8;
	[tilespmem:$0x10800] =	vst v63  }
0x8b: {  	_ = 	snop  }
0x8c: {  	[tilespmem:s29], [sflag:$0x4] =	stream.indirect_vreg.gather [hbm4b:s10+s14], $0x80, v2, vm0, $0xb8;
	[tilespmem:$0x10800] =	vst v63  }
0x8d: {  	_ = 	snop  }
0x8e: {  	[tilespmem:s30], [sflag:$0x4] =	stream.indirect_vreg.gather [hbm4b:s11+s14], $0x80, v2, vm0, $0xb8;
	[tilespmem:$0x10800] =	vst v63  }
0x8f: {  	_ = 	snop  }
0x90: {  	[tilespmem:s31], [sflag:$0x4] =	stream.indirect_vreg.gather [hbm4b:s12+s14], $0x80, v2, vm0, $0xb8;
	[tilespmem:$0x10800] =	vst v63  }
0x91: {  	s20 =	simm.s32 $0x38  }
0x92: {  	[tilespmem:s3], [sflag:$0x4] =	stream.indirect_vreg.gather [hbm4b:s13+s14], $0x80, v2, vm0, $0xb8;
	[tilespmem:$0x10800] =	vst v63  }
.LBB2_4:
0x93: {  	_ =	swait.ge [sflag:s2], $0x4000  }
0x94: {  	p1 =	seq.s32 s14, $0x3E000;
	[sflag:s2] =	ssyncset.done $0x0  }
0x95: {  	s21 =	sadd.s32 s14, s15;
	s22 =	simm.s32 @!p1 $0x5;
	[sflag:s2] =	ssyncadd.s32 $0xFFFFC000  }
0x96: {  	[hbm4b:s21+s4] =	stream.linear.scatter [tilespmem:s16], [sflag:$0x5], $0x4000, $0x38;
	[tilespmem:$0x10800] =	vst v63  }
0x97: {  	_ =	swait.ge @!p1 [sflag:s22], $0x4000  }
0x98: {  	[sflag:s22] =	ssyncset.done @!p1 $0x0  }
0x99: {  	[sflag:s22] =	ssyncadd.s32 @!p1 $0xFFFFC000  }
0x9a: {  	v2 =	vld.msk @!p1 [tilespmem:s20+$0xFFFFFFE8], $0xff;
	_ =	sdelay $0x4  }
0x9b: {  	v3 =	vshll.u32 @!p1 v2, $0x4  }
0x9c: {  	v4 =	vlaneseq.u32 @!p1;
	v2 =	vand.u32 @!p1 $0x7, v2;
	v3 =	vand.u32 @!p1 $0xFFFFFF80, v3  }
0x9d: {  	v2 =	vor.u32 @!p1 v2, v3;
	v3 =	vand.u32 @!p1 $0x7, v4;
	v4 =	vshrl.u32 @!p1 v4, $0x3  }
0x9e: {  	v2 =	vperm.xlane @!p1 v2, v3;
	v4 =	vmul.u32 @!p1 $0x8, v4;
	_ =	sdelay $0x1  }
0x9f: {  	v2 =	vadd.s32 @!p1 v4, v2;
	_ =	sdelay $0x3  }
0xa0: {  	vm1 =	vmmov @!p1 $0xffff;
	s6 =	simm.s32 @!p1 $0x800;
	s22 =	simm.s32 @!p1 $0x0  }
0xa1: {  	[tilespmem:s6], [sflag:$0x1] =	stream.indirect_vreg.gather @!p1 [hbm4b:s1+s22], $0x80, v2, vm1, $0xb8;
	[tilespmem:$0x10800] =	vst v63  }
0xa2: {  	s6 =	simm.s32 @!p1 $0x1000  }
0xa3: {  	[tilespmem:s6], [sflag:$0x1] =	stream.indirect_vreg.gather @!p1 [hbm4b:s7+s22], $0x80, v2, vm1, $0xb8;
	[tilespmem:$0x10800] =	vst v63  }
0xa4: {  	s6 =	simm.s32 @!p1 $0x1800  }
0xa5: {  	[tilespmem:s6], [sflag:$0x1] =	stream.indirect_vreg.gather @!p1 [hbm4b:s8+s22], $0x80, v2, vm1, $0xb8;
	[tilespmem:$0x10800] =	vst v63  }
0xa6: {  	s6 =	simm.s32 @!p1 $0x2000  }
0xa7: {  	[tilespmem:s6], [sflag:$0x1] =	stream.indirect_vreg.gather @!p1 [hbm4b:s9+s22], $0x80, v2, vm1, $0xb8;
	[tilespmem:$0x10800] =	vst v63  }
0xa8: {  	s6 =	simm.s32 @!p1 $0x2800  }
0xa9: {  	[tilespmem:s6], [sflag:$0x1] =	stream.indirect_vreg.gather @!p1 [hbm4b:s10+s22], $0x80, v2, vm1, $0xb8;
	[tilespmem:$0x10800] =	vst v63  }
0xaa: {  	s6 =	simm.s32 @!p1 $0x3000  }
0xab: {  	[tilespmem:s6], [sflag:$0x1] =	stream.indirect_vreg.gather @!p1 [hbm4b:s11+s22], $0x80, v2, vm1, $0xb8;
	[tilespmem:$0x10800] =	vst v63  }
0xac: {  	s6 =	simm.s32 @!p1 $0x3800  }
0xad: {  	[tilespmem:s6], [sflag:$0x1] =	stream.indirect_vreg.gather @!p1 [hbm4b:s12+s22], $0x80, v2, vm1, $0xb8;
	[tilespmem:$0x10800] =	vst v63  }
0xae: {  	s6 =	simm.s32 @!p1 $0x4000  }
0xaf: {  	[tilespmem:s6], [sflag:$0x1] =	stream.indirect_vreg.gather @!p1 [hbm4b:s13+s22], $0x80, v2, vm1, $0xb8;
	[tilespmem:$0x10800] =	vst v63  }
0xb0: {  	_ =	swait.ge [sflag:s17], $0x4000  }
0xb1: {  	[sflag:s17] =	ssyncset.done $0x0  }
0xb2: {  	s6 =	sadd.s32 $0x800, s21;
	[sflag:s17] =	ssyncadd.s32 $0xFFFFC000  }
0xb3: {  	[hbm4b:s6+s4] =	stream.linear.scatter [tilespmem:s24], [sflag:$0x6], $0x4000, $0x38;
	[tilespmem:$0x10800] =	vst v63  }
0xb4: {  	s6 =	simm.s32 @!p1 $0x6  }
0xb5: {  	_ =	swait.ge @!p1 [sflag:s6], $0x4000  }
0xb6: {  	[sflag:s6] =	ssyncset.done @!p1 $0x0  }
0xb7: {  	[sflag:s6] =	ssyncadd.s32 @!p1 $0xFFFFC000  }
0xb8: {  	v2 =	vld.msk @!p1 [tilespmem:s20+$0xFFFFFFF0], $0xff;
	_ =	sdelay $0x4  }
0xb9: {  	v5 =	vshll.u32 @!p1 v2, $0x4  }
0xba: {  	v2 =	vand.u32 @!p1 $0x7, v2;
	v5 =	vand.u32 @!p1 $0xFFFFFF80, v5  }
0xbb: {  	v2 =	vor.u32 @!p1 v2, v5  }
0xbc: {  	v2 =	vperm.xlane @!p1 v2, v3;
	_ =	sdelay $0x1  }
0xbd: {  	v2 =	vadd.s32 @!p1 v4, v2;
	_ =	sdelay $0x3  }
0xbe: {  	s6 =	simm.s32 @!p1 $0x4800  }
0xbf: {  	[tilespmem:s6], [sflag:$0x2] =	stream.indirect_vreg.gather @!p1 [hbm4b:s1+s22], $0x80, v2, vm1, $0xb8;
	[tilespmem:$0x10800] =	vst v63  }
0xc0: {  	s6 =	simm.s32 @!p1 $0x5000  }
0xc1: {  	[tilespmem:s6], [sflag:$0x2] =	stream.indirect_vreg.gather @!p1 [hbm4b:s7+s22], $0x80, v2, vm1, $0xb8;
	[tilespmem:$0x10800] =	vst v63  }
0xc2: {  	s6 =	simm.s32 @!p1 $0x5800  }
0xc3: {  	[tilespmem:s6], [sflag:$0x2] =	stream.indirect_vreg.gather @!p1 [hbm4b:s8+s22], $0x80, v2, vm1, $0xb8;
	[tilespmem:$0x10800] =	vst v63  }
0xc4: {  	s6 =	simm.s32 @!p1 $0x6000  }
0xc5: {  	[tilespmem:s6], [sflag:$0x2] =	stream.indirect_vreg.gather @!p1 [hbm4b:s9+s22], $0x80, v2, vm1, $0xb8;
	[tilespmem:$0x10800] =	vst v63  }
0xc6: {  	s6 =	simm.s32 @!p1 $0x6800  }
0xc7: {  	[tilespmem:s6], [sflag:$0x2] =	stream.indirect_vreg.gather @!p1 [hbm4b:s10+s22], $0x80, v2, vm1, $0xb8;
	[tilespmem:$0x10800] =	vst v63  }
0xc8: {  	s6 =	simm.s32 @!p1 $0x7000  }
0xc9: {  	[tilespmem:s6], [sflag:$0x2] =	stream.indirect_vreg.gather @!p1 [hbm4b:s11+s22], $0x80, v2, vm1, $0xb8;
	[tilespmem:$0x10800] =	vst v63  }
0xca: {  	s6 =	simm.s32 @!p1 $0x7800  }
0xcb: {  	[tilespmem:s6], [sflag:$0x2] =	stream.indirect_vreg.gather @!p1 [hbm4b:s12+s22], $0x80, v2, vm1, $0xb8;
	[tilespmem:$0x10800] =	vst v63  }
0xcc: {  	s6 =	simm.s32 @!p1 $0x8000  }
0xcd: {  	[tilespmem:s6], [sflag:$0x2] =	stream.indirect_vreg.gather @!p1 [hbm4b:s13+s22], $0x80, v2, vm1, $0xb8;
	[tilespmem:$0x10800] =	vst v63  }
0xce: {  	_ =	swait.ge [sflag:s18], $0x4000  }
0xcf: {  	[sflag:s18] =	ssyncset.done $0x0  }
0xd0: {  	s6 =	sadd.s32 $0x1000, s21;
	[sflag:s18] =	ssyncadd.s32 $0xFFFFC000  }
0xd1: {  	[hbm4b:s6+s4] =	stream.linear.scatter [tilespmem:s0], [sflag:$0x7], $0x4000, $0x38;
	[tilespmem:$0x10800] =	vst v63  }
0xd2: {  	s6 =	simm.s32 @!p1 $0x7  }
0xd3: {  	_ =	swait.ge @!p1 [sflag:s6], $0x4000  }
0xd4: {  	[sflag:s6] =	ssyncset.done @!p1 $0x0  }
0xd5: {  	[sflag:s6] =	ssyncadd.s32 @!p1 $0xFFFFC000  }
0xd6: {  	v2 =	vld.msk @!p1 [tilespmem:s20+$0xFFFFFFF8], $0xff;
	_ =	sdelay $0x4  }
0xd7: {  	v5 =	vshll.u32 @!p1 v2, $0x4  }
0xd8: {  	v2 =	vand.u32 @!p1 $0x7, v2;
	v5 =	vand.u32 @!p1 $0xFFFFFF80, v5  }
0xd9: {  	v2 =	vor.u32 @!p1 v2, v5  }
0xda: {  	v2 =	vperm.xlane @!p1 v2, v3;
	_ =	sdelay $0x1  }
0xdb: {  	v2 =	vadd.s32 @!p1 v4, v2;
	_ =	sdelay $0x3  }
0xdc: {  	s6 =	simm.s32 @!p1 $0x8800  }
0xdd: {  	[tilespmem:s6], [sflag:$0x3] =	stream.indirect_vreg.gather @!p1 [hbm4b:s1+s22], $0x80, v2, vm1, $0xb8;
	[tilespmem:$0x10800] =	vst v63  }
0xde: {  	s6 =	simm.s32 @!p1 $0x9000  }
0xdf: {  	[tilespmem:s6], [sflag:$0x3] =	stream.indirect_vreg.gather @!p1 [hbm4b:s7+s22], $0x80, v2, vm1, $0xb8;
	[tilespmem:$0x10800] =	vst v63  }
0xe0: {  	s6 =	simm.s32 @!p1 $0x9800  }
0xe1: {  	[tilespmem:s6], [sflag:$0x3] =	stream.indirect_vreg.gather @!p1 [hbm4b:s8+s22], $0x80, v2, vm1, $0xb8;
	[tilespmem:$0x10800] =	vst v63  }
0xe2: {  	s6 =	simm.s32 @!p1 $0xA000  }
0xe3: {  	[tilespmem:s6], [sflag:$0x3] =	stream.indirect_vreg.gather @!p1 [hbm4b:s9+s22], $0x80, v2, vm1, $0xb8;
	[tilespmem:$0x10800] =	vst v63  }
0xe4: {  	s6 =	simm.s32 @!p1 $0xA800  }
0xe5: {  	[tilespmem:s6], [sflag:$0x3] =	stream.indirect_vreg.gather @!p1 [hbm4b:s10+s22], $0x80, v2, vm1, $0xb8;
	[tilespmem:$0x10800] =	vst v63  }
0xe6: {  	s6 =	simm.s32 @!p1 $0xB000  }
0xe7: {  	[tilespmem:s6], [sflag:$0x3] =	stream.indirect_vreg.gather @!p1 [hbm4b:s11+s22], $0x80, v2, vm1, $0xb8;
	[tilespmem:$0x10800] =	vst v63  }
0xe8: {  	s6 =	simm.s32 @!p1 $0xB800  }
0xe9: {  	[tilespmem:s6], [sflag:$0x3] =	stream.indirect_vreg.gather @!p1 [hbm4b:s12+s22], $0x80, v2, vm1, $0xb8;
	[tilespmem:$0x10800] =	vst v63  }
0xea: {  	s6 =	simm.s32 @!p1 $0xC000  }
0xeb: {  	[tilespmem:s6], [sflag:$0x3] =	stream.indirect_vreg.gather @!p1 [hbm4b:s13+s22], $0x80, v2, vm1, $0xb8;
	[tilespmem:$0x10800] =	vst v63  }
.Ltmp3:
0xec: {  	_ = 	snop;
	(pc) =	sbr.rel @p1 .LBB2_6-.Ltmp3, $4  }
0xed: {  	_ =	swait.ge [sflag:s19], $0x4000  }
0xee: {  	[sflag:s19] =	ssyncset.done $0x0  }
0xef: {  	s22 =	sadd.s32 $0x1800, s21;
	[sflag:s19] =	ssyncadd.s32 $0xFFFFC000  }
0xf0: {  	[hbm4b:s22+s4] =	stream.linear.scatter [tilespmem:s23], [sflag:$0x8], $0x4000, $0x38;
	[tilespmem:$0x10800] =	vst v63  }
0xf1: {  	_ =	swait.ge [sflag:s5], $0x4000  }
0xf2: {  	[sflag:s5] =	ssyncset.done $0x0  }
0xf3: {  	[sflag:s5] =	ssyncadd.s32 $0xFFFFC000  }
0xf4: {  	v2 =	vld.msk [tilespmem:s20+$0x0], $0xff;
	_ =	sdelay $0x4  }
0xf5: {  	v3 =	vshll.u32 v2, $0x4  }
0xf6: {  	v2 =	vand.u32 $0x7, v2;
	v3 =	vand.u32 $0xFFFFFF80, v3  }
0xf7: {  	v2 =	vor.u32 v2, v3  }
0xf8: {  	v2 =	vperm.xlane v2, v0;
	_ =	sdelay $0x1  }
0xf9: {  	v2 =	vadd.s32 v1, v2;
	_ =	sdelay $0x4  }
0xfa: {  	[tilespmem:s23], [sflag:$0x4] =	stream.indirect_vreg.gather [hbm4b:s1+s4], $0x80, v2, vm0, $0xb8;
	[tilespmem:$0x10800] =	vst v63  }
0xfb: {  	_ = 	snop  }
0xfc: {  	[tilespmem:s25], [sflag:$0x4] =	stream.indirect_vreg.gather [hbm4b:s7+s4], $0x80, v2, vm0, $0xb8;
	[tilespmem:$0x10800] =	vst v63  }
0xfd: {  	_ = 	snop  }
0xfe: {  	[tilespmem:s26], [sflag:$0x4] =	stream.indirect_vreg.gather [hbm4b:s8+s4], $0x80, v2, vm0, $0xb8;
	[tilespmem:$0x10800] =	vst v63  }
0xff: {  	_ = 	snop  }
0x100: {  	[tilespmem:s28], [sflag:$0x4] =	stream.indirect_vreg.gather [hbm4b:s9+s4], $0x80, v2, vm0, $0xb8;
	[tilespmem:$0x10800] =	vst v63  }
0x101: {  	_ = 	snop  }
0x102: {  	[tilespmem:s29], [sflag:$0x4] =	stream.indirect_vreg.gather [hbm4b:s10+s4], $0x80, v2, vm0, $0xb8;
	[tilespmem:$0x10800] =	vst v63  }
0x103: {  	_ = 	snop  }
0x104: {  	[tilespmem:s30], [sflag:$0x4] =	stream.indirect_vreg.gather [hbm4b:s11+s4], $0x80, v2, vm0, $0xb8;
	[tilespmem:$0x10800] =	vst v63  }
.Ltmp4:
0x105: {  	_ = 	snop;
	(pc) =	sbr.rel .LBB2_4-.Ltmp4, $4  }
0x106: {  	_ = 	snop  }
0x107: {  	[tilespmem:s31], [sflag:$0x4] =	stream.indirect_vreg.gather [hbm4b:s12+s4], $0x80, v2, vm0, $0xb8;
	[tilespmem:$0x10800] =	vst v63  }
0x108: {  	s14 =	sadd.s32 $0x2000, s14;
	s20 =	sadd.s32 $0x20, s20  }
0x109: {  	[tilespmem:s3], [sflag:$0x4] =	stream.indirect_vreg.gather [hbm4b:s13+s4], $0x80, v2, vm0, $0xb8;
	[tilespmem:$0x10800] =	vst v63  }
.LBB2_7:
0x10a: {  	_ =	sfence.sel $0x180000  }
0x10b: {  	[bflag:$0x0] =	sbarrier.arrive $0xFFFF  }
0x10c: {  	_ =	strace $0x90000047  }
0x10d: {  	s0 =	stileid.u32;
	[bflag:$0x2] =	sbarrier.arrive $0xFFFF  }
0x10e: {  	p0 =	sne.s32 s0, $0x0;
	s0 =	rddreg [dreg:$0x4]  }
0x10f: {  	s0 =	sadd.s32 @!p0 $0x100000, s0  }
0x110: {  	[sflag:s0] =	ssyncadd.tile.s32 @!p0 $0x1;
	_ =	shalt  }
.Lfunc_end2:
_tile_overlayer_lowered:
.L_overlay_start_2:
0x111: {  	(tag) =	ssettag $0x2  }
0x112: {  	s0 =	rddreg [dreg:$0x0];
	s2 =	stileid.u32  }
0x113: {  	s1 =	rddreg [dreg:$0x1];
	p0 =	sne.s32 s2, $0x0  }
0x114: {  	s3 =	rddreg [dreg:$0x2];
	[bflag:$0x3] =	sbarrier.arrive $0xFFFF;
	s2 =	simm.s32 @!p0 $0x1C09  }
0x115: {  	[timem:s3], [sflag:s2] =	dma.local @!p0 [hbm:s0], s1  }
0x116: {  	s0 =	simm.s32 @!p0 $0x9  }
0x117: {  	_ =	swait.ge @!p0 [sflag:s0], s1  }
0x118: {  	s1 =	ssub.s32 @!p0 $0x0, s1;
	[sflag:s0] =	ssyncset.done @!p0 $0x0  }
0x119: {  	[sflag:s0] =	ssyncadd.s32 @!p0 s1  }
0x11a: {  	[bflag:$0x3] =	sbarrier.arrive $0xFFFF  }
0x11b: {  	_ =	shalt  }

</sc_bundles>
